<compile_context>
chip_gen: v7x
topology: tpu7x:2x2x1
jax: 0.10.2.dev20260603
libtpu: 0.0.44.dev20260713+nightly
codegen_flags: <defaults>
</compile_context>

<pallas_src>
import functools

import jax
import jax.numpy as jnp
from jax import lax
from jax.experimental import pallas as pl
from jax.experimental.pallas import tpu as pltpu
from jax.experimental.pallas import tpu_sc as plsc

N = 4096
NW = 32
L = 16
RPW = N // NW
_TCB = 512

_mesh = plsc.VectorSubcoreMesh(core_axis_name="c", subcore_axis_name="s")
_cparams = pltpu.CompilerParams(needs_layout_passes=False)


def _tc_body(x_ref, last_ref, o_ref, l16_ref):
    o_ref[...] = jnp.sum(x_ref[...], axis=1)

    @pl.when(pl.program_id(0) == 0)
    def _():
        l16_ref[...] = jnp.broadcast_to(last_ref[0], (128,)).astype(jnp.int32)


def _tc_rowsum(mat, last):
    return pl.pallas_call(
        _tc_body,
        grid=(N // _TCB,),
        in_specs=[
            pl.BlockSpec((_TCB, N), lambda i: (i, 0)),
            pl.BlockSpec(memory_space=pltpu.SMEM),
        ],
        out_specs=[
            pl.BlockSpec((_TCB,), lambda i: (i,)),
            pl.BlockSpec((128,), lambda i: (0,)),
        ],
        out_shape=[
            jax.ShapeDtypeStruct((N,), jnp.float32),
            jax.ShapeDtypeStruct((128,), jnp.int32),
        ],
    )(mat, last)


@functools.partial(
    pl.kernel,
    out_type=jax.ShapeDtypeStruct((N,), jnp.float32),
    mesh=_mesh,
    compiler_params=_cparams,
    scratch_types=[
        pltpu.VMEM((N,), jnp.float32),
        pltpu.VMEM((RPW,), jnp.float32),
        pltpu.VMEM((L,), jnp.int32),
        pltpu.SemaphoreType.DMA,
    ],
)
def _sc_compact(last_hbm, rs_hbm, out_hbm, rs_v, buf_v, last_v, sem):
    wid = lax.axis_index("s") * 2 + lax.axis_index("c")
    lo = wid * RPW
    hi = lo + RPW
    cp = pltpu.async_copy(rs_hbm, rs_v, sem)
    pltpu.sync_copy(last_hbm.at[pl.ds(0, L)], last_v)
    last_vec = last_v[...]
    lanes = lax.iota(jnp.int32, L)
    neg1 = jnp.full((L,), -1.0, jnp.float32)
    ones = jnp.ones((L,), jnp.int32)

    for g in range(RPW // L):
        buf_v[pl.ds(g * L, L)] = neg1
    cp.wait()

    i0 = pl.multiple_of((last_vec[0] // L) * L, L)
    v0 = rs_v[pl.ds(i0, L)]
    rs_v[pl.ds(i0, L)] = jnp.where(lanes + i0 == last_vec, -1.0, v0)

    def count8(j, carry):
        p0, p1 = carry
        for q in range(4):
            o = pl.multiple_of(j * (8 * L) + q * (2 * L), L)
            m0 = rs_v[pl.ds(o, L)] != -1.0
            m1 = rs_v[pl.ds(o + L, L)] != -1.0
            p0 = p0 + plsc.all_reduce_population_count(m0)
            p1 = p1 + plsc.all_reduce_population_count(m1)
        return (p0, p1)

    zi = jnp.zeros((L,), jnp.int32)
    p0, p1 = lax.fori_loop(0, wid, count8, (zi, zi))
    prefix0 = p0 + p1

    def cond(c):
        i, prefix = c
        return (i < N // L) & jnp.any(prefix < hi)

    def body(c):
        i, prefix = c
        v = rs_v[pl.ds(pl.multiple_of(i * L, L), L)]
        m = v != -1.0
        cnt = plsc.all_reduce_population_count(m)
        rank0 = (prefix + plsc.cumsum(ones, mask=m)) - 1
        sm = m & (rank0 >= lo) & (rank0 < hi)
        plsc.store_scatter(buf_v, [rank0 - lo], v, mask=sm)
        return (i + 1, prefix + cnt)

    lax.while_loop(cond, body, (wid * (RPW // L), prefix0))
    pltpu.sync_copy(buf_v, out_hbm.at[pl.ds(lo, RPW)])


def kernel(first_cam_trap, last_cam_trap, cond_mat):
    rs, last128 = _tc_rowsum(cond_mat, last_cam_trap.astype(jnp.int32))
    out = _sc_compact(last128, rs)
    return out[: N - 1].reshape(-1, 1)

# --- scband reference (transcript-rebuilt; emitter-appended) ---
"""Pipeline reference for scband-current-vector-cg-82789789598199 (READ-ONLY COPY).

The authoritative reference and input builder live on the scoring server;
editing this copy changes nothing except your own understanding.
"""

import jax, jax.numpy as jnp
import numpy as np

N = 4096

def setup_inputs(seed: int = 0) -> dict:
    key = jax.random.key(seed)
    k1, k2, k3 = jax.random.split(key, 3)
    first_cam_trap = jax.random.randint(k1, (1,), 0, N, dtype=jnp.int32)
    last_cam_trap = jax.random.randint(k2, (1,), 0, N, dtype=jnp.int32)
    cond_mat = jax.random.normal(k3, (N, N), dtype=jnp.float32)
    return {"first_cam_trap": first_cam_trap, "last_cam_trap": last_cam_trap, "cond_mat": cond_mat}

def reference(first_cam_trap, last_cam_trap, cond_mat):
    # row_sums = cond_mat.sum(dim=1).reshape(-1, 1)
    row_sums = jnp.sum(cond_mat, axis=1).reshape(-1, 1)
    # row_sums[last_cam_trap] = -1.0  (scatter-overwrite)
    row_sums = row_sums.at[last_cam_trap].set(-1.0)
    # torch.masked_select(row_sums, row_sums != -1.0).view(-1, 1)
    mask = (row_sums != -1.0).reshape(-1)
    n = cond_mat.shape[0]
    order = jnp.argsort(jnp.logical_not(mask), stable=True)
    kept = row_sums.reshape(-1)[order][: n - 1]
    return kept.reshape(-1, 1)

if __name__ == "__main__":
    import jax
    _d = setup_inputs()
    print(jax.jit(kernel)(*tuple(_d.values())))

</pallas_src>

<mosaic_0001>
#map = affine_map<(d0, d1) -> (0)>
module attributes {stable_mosaic.version = 14 : i64} {
  func.func @_sc_compact(%arg0: i32, %arg1: i32, %arg2: memref<128xi32, #tpu.memory_space<hbm>>, %arg3: memref<4096xf32, #tpu.memory_space<hbm>>, %arg4: memref<4096xf32, #tpu.memory_space<hbm>>, %arg5: memref<4096xf32, #tpu.memory_space<vmem>>, %arg6: memref<128xf32, #tpu.memory_space<vmem>>, %arg7: memref<16xi32, #tpu.memory_space<vmem>>, %arg8: memref<!tpu.dma_semaphore, #tpu.memory_space<semaphore_mem>>) attributes {dimension_semantics = [#tpu.dimension_semantics<core_parallel>, #tpu.dimension_semantics<subcore_parallel>], iteration_bounds = array<i64: 2, 16>, scalar_prefetch = 0 : i64, scratch_operands = 4 : i64, tpu.core_type = #tpu.core_type<sc_vector_subcore>, window_params = [{transform_indices = #map}, {transform_indices = #map}, {transform_indices = #map}]} {
    %mul3A = arith.constant 2 : i32
    %mul3A_0 = arith.muli %arg1, %mul3A : i32
    %add3A = arith.addi %mul3A_0, %arg0 : i32
    %mul3A_1 = arith.constant 128 : i32
    %mul3A_2 = arith.muli %add3A, %mul3A_1 : i32
    %add3A_3 = arith.constant 128 : i32
    %add3A_4 = arith.addi %mul3A_2, %add3A_3 : i32
    tpu.enqueue_dma source(%arg3 : memref<4096xf32, #tpu.memory_space<hbm>>) target(%arg5 : memref<4096xf32, #tpu.memory_space<vmem>>) target_semaphore(%arg8 : memref<!tpu.dma_semaphore, #tpu.memory_space<semaphore_mem>>)
    "tpu.region"() ({
      %run_scoped3A = tpu.sem_alloc : memref<!tpu.dma_semaphore, #tpu.memory_space<semaphore_mem>>
      %dma_start3A = arith.constant 0 : i32
      %dma_start3A_67 = tpu.memref_slice %arg2[%dma_start3A] : memref<128xi32, #tpu.memory_space<hbm>> -> memref<16xi32, #tpu.memory_space<hbm>>
      %dma_start3A_68 = arith.constant 0 : i32
      %dma_start3A_69 = tpu.memref_slice %arg2[%dma_start3A_68] : memref<128xi32, #tpu.memory_space<hbm>> -> memref<16xi32, #tpu.memory_space<hbm>>
      tpu.enqueue_dma source(%dma_start3A_69 : memref<16xi32, #tpu.memory_space<hbm>>) target(%arg7 : memref<16xi32, #tpu.memory_space<vmem>>) target_semaphore(%run_scoped3A : memref<!tpu.dma_semaphore, #tpu.memory_space<semaphore_mem>>)
      %dma_wait3A = arith.constant 0 : i32
      %dma_wait3A_70 = tpu.memref_slice %arg2[%dma_wait3A] : memref<128xi32, #tpu.memory_space<hbm>> -> memref<16xi32, #tpu.memory_space<hbm>>
      %dma_wait3A_71 = arith.constant 0 : i32
      %dma_wait3A_72 = tpu.memref_slice %arg2[%dma_wait3A_71] : memref<128xi32, #tpu.memory_space<hbm>> -> memref<16xi32, #tpu.memory_space<hbm>>
      tpu.wait_dma2 semaphore(%run_scoped3A : memref<!tpu.dma_semaphore, #tpu.memory_space<semaphore_mem>>) src(%dma_wait3A_72 : memref<16xi32, #tpu.memory_space<hbm>>) dst(%arg7 : memref<16xi32, #tpu.memory_space<vmem>>)
      tpu.yield
    }) : () -> ()
    %get3A = arith.constant 0 : index
    %get3A_5 = tpu.vector_load %arg7[%get3A] {strides = array<i32>} : memref<16xi32, #tpu.memory_space<vmem>>, vector<16xi32>,
    %iota3A = tpu.iota {dimensions = array<i32: 0>} : vector<16xi32>
    %broadcast_in_dim3A = arith.constant -1.000000e+00 : f32
    %broadcast_in_dim3A_6 = vector.broadcast %broadcast_in_dim3A : f32 to vector<16xf32>
    %broadcast_in_dim3A_7 = arith.constant 1 : i32
    %broadcast_in_dim3A_8 = vector.broadcast %broadcast_in_dim3A_7 : i32 to vector<16xi32>
    %swap3A = arith.constant 0 : index
    %swap3A_9 = tpu.vector_load %arg6[%swap3A] {strides = array<i32>} : memref<128xf32, #tpu.memory_space<vmem>>, vector<16xf32>,
    tpu.vector_store %arg6[%swap3A], %broadcast_in_dim3A_6 {strides = array<i32>} : memref<128xf32, #tpu.memory_space<vmem>>, vector<16xf32>,
    %swap3A_10 = arith.constant 16 : index
    %swap3A_11 = tpu.vector_load %arg6[%swap3A_10] {strides = array<i32>} : memref<128xf32, #tpu.memory_space<vmem>>, vector<16xf32>,
    tpu.vector_store %arg6[%swap3A_10], %broadcast_in_dim3A_6 {strides = array<i32>} : memref<128xf32, #tpu.memory_space<vmem>>, vector<16xf32>,
    %swap3A_12 = arith.constant 32 : index
    %swap3A_13 = tpu.vector_load %arg6[%swap3A_12] {strides = array<i32>} : memref<128xf32, #tpu.memory_space<vmem>>, vector<16xf32>,
    tpu.vector_store %arg6[%swap3A_12], %broadcast_in_dim3A_6 {strides = array<i32>} : memref<128xf32, #tpu.memory_space<vmem>>, vector<16xf32>,
    %swap3A_14 = arith.constant 48 : index
    %swap3A_15 = tpu.vector_load %arg6[%swap3A_14] {strides = array<i32>} : memref<128xf32, #tpu.memory_space<vmem>>, vector<16xf32>,
    tpu.vector_store %arg6[%swap3A_14], %broadcast_in_dim3A_6 {strides = array<i32>} : memref<128xf32, #tpu.memory_space<vmem>>, vector<16xf32>,
    %swap3A_16 = arith.constant 64 : index
    %swap3A_17 = tpu.vector_load %arg6[%swap3A_16] {strides = array<i32>} : memref<128xf32, #tpu.memory_space<vmem>>, vector<16xf32>,
    tpu.vector_store %arg6[%swap3A_16], %broadcast_in_dim3A_6 {strides = array<i32>} : memref<128xf32, #tpu.memory_space<vmem>>, vector<16xf32>,
    %swap3A_18 = arith.constant 80 : index
    %swap3A_19 = tpu.vector_load %arg6[%swap3A_18] {strides = array<i32>} : memref<128xf32, #tpu.memory_space<vmem>>, vector<16xf32>,
    tpu.vector_store %arg6[%swap3A_18], %broadcast_in_dim3A_6 {strides = array<i32>} : memref<128xf32, #tpu.memory_space<vmem>>, vector<16xf32>,
    %swap3A_20 = arith.constant 96 : index
    %swap3A_21 = tpu.vector_load %arg6[%swap3A_20] {strides = array<i32>} : memref<128xf32, #tpu.memory_space<vmem>>, vector<16xf32>,
    tpu.vector_store %arg6[%swap3A_20], %broadcast_in_dim3A_6 {strides = array<i32>} : memref<128xf32, #tpu.memory_space<vmem>>, vector<16xf32>,
    %swap3A_22 = arith.constant 112 : index
    %swap3A_23 = tpu.vector_load %arg6[%swap3A_22] {strides = array<i32>} : memref<128xf32, #tpu.memory_space<vmem>>, vector<16xf32>,
    tpu.vector_store %arg6[%swap3A_22], %broadcast_in_dim3A_6 {strides = array<i32>} : memref<128xf32, #tpu.memory_space<vmem>>, vector<16xf32>,
    tpu.wait_dma2 semaphore(%arg8 : memref<!tpu.dma_semaphore, #tpu.memory_space<semaphore_mem>>) src(%arg3 : memref<4096xf32, #tpu.memory_space<hbm>>) dst(%arg5 : memref<4096xf32, #tpu.memory_space<vmem>>)
    %slice3A = vector.extract_strided_slice %get3A_5 {offsets = [0], sizes = [1], strides = [1]} : vector<16xi32> to vector<1xi32>
    %squeeze3A = vector.extract %slice3A[0] : i32 from vector<1xi32>
    %jit3A = arith.constant 16 : i32
    %div3A = arith.divsi %squeeze3A, %jit3A : i32
    %sign3A = arith.constant 0 : i32
    %sign3A_24 = arith.cmpi sgt, %squeeze3A, %sign3A : i32
    %sign3A_25 = arith.extui %sign3A_24 : i1 to i32
    %sign3A_26 = arith.constant 0 : i32
    %sign3A_27 = arith.cmpi slt, %squeeze3A, %sign3A_26 : i32
    %sign3A_28 = arith.extui %sign3A_27 : i1 to i32
    %sign3A_29 = arith.subi %sign3A_25, %sign3A_28 : i32
    %sign3A_30 = arith.constant 0 : i32
    %sign3A_31 = arith.cmpi sgt, %jit3A, %sign3A_30 : i32
    %sign3A_32 = arith.extui %sign3A_31 : i1 to i32
    %sign3A_33 = arith.constant 0 : i32
    %sign3A_34 = arith.cmpi slt, %jit3A, %sign3A_33 : i32
    %sign3A_35 = arith.extui %sign3A_34 : i1 to i32
    %sign3A_36 = arith.subi %sign3A_32, %sign3A_35 : i32
    %ne3A = arith.cmpi ne, %sign3A_29, %sign3A_36 : i32
    %rem3A = arith.remsi %squeeze3A, %jit3A : i32
    %ne3A_37 = arith.constant 0 : i32
    %ne3A_38 = arith.cmpi ne, %rem3A, %ne3A_37 : i32
    %and3A = arith.andi %ne3A, %ne3A_38 : i1
    %sub3A = arith.constant 1 : i32
    %sub3A_39 = arith.subi %div3A, %sub3A : i32
    %select_n3A = arith.select %and3A, %sub3A_39, %div3A : i32
    %mul3A_40 = arith.constant 16 : i32
    %mul3A_41 = arith.muli %select_n3A, %mul3A_40 : i32
    %multiple_of3A = tpu.assume_multiple %mul3A_41, 16 : i32
    %get3A_42 = arith.index_cast %multiple_of3A : i32 to index
    %get3A_43 = tpu.vector_load %arg5[%get3A_42] {strides = array<i32>} : memref<4096xf32, #tpu.memory_space<vmem>>, vector<16xf32>,
    %add3A_44 = vector.broadcast %multiple_of3A : i32 to vector<16xi32>
    %add3A_45 = arith.addi %iota3A, %add3A_44 : vector<16xi32>
    %eq3A = arith.cmpi eq, %add3A_45, %get3A_5 : vector<16xi32>
    %jit3A_46 = arith.constant -1.000000e+00 : f32
    %broadcast_in_dim3A_47 = vector.broadcast %jit3A_46 : f32 to vector<16xf32>
    %select_n3A_48 = arith.select %eq3A, %broadcast_in_dim3A_47, %get3A_43 : vector<16xi1>, vector<16xf32>
    %swap3A_49 = arith.index_cast %multiple_of3A : i32 to index
    %swap3A_50 = tpu.vector_load %arg5[%swap3A_49] {strides = array<i32>} : memref<4096xf32, #tpu.memory_space<vmem>>, vector<16xf32>,
    tpu.vector_store %arg5[%swap3A_49], %select_n3A_48 {strides = array<i32>} : memref<4096xf32, #tpu.memory_space<vmem>>, vector<16xf32>,
    %broadcast_in_dim3A_51 = arith.constant 0 : i32
    %broadcast_in_dim3A_52 = vector.broadcast %broadcast_in_dim3A_51 : i32 to vector<16xi32>
    %while3A = arith.constant 0 : i32
    %while3A_53 = arith.subi %add3A, %while3A : i32
    %while3A_54 = arith.addi %while3A, %while3A_53 : i32
    %while3A_55 = arith.constant 1 : i32
    %while3A_56 = arith.divsi %while3A_53, %while3A_55 : i32
    %while3A_57 = arith.muli %while3A_56, %while3A_55 : i32
    %while3A_58 = arith.addi %while3A, %while3A_57 : i32
    %while3A_59 = arith.constant 1 : i32
    %while3A_60:2 = scf.for %while3A_67 = %while3A to %while3A_58 step %while3A_59 iter_args(%while3A_68 = %broadcast_in_dim3A_52, %while3A_69 = %broadcast_in_dim3A_52) -> (vector<16xi32>, vector<16xi32>)  : i32 {
      %mul3A_70 = arith.constant 128 : i32
      %mul3A_71 = arith.muli %while3A_67, %mul3A_70 : i32
      %add3A_72 = arith.constant 0 : i32
      %add3A_73 = arith.addi %mul3A_71, %add3A_72 : i32
      %multiple_of3A_74 = tpu.assume_multiple %add3A_73, 16 : i32
      %get3A_75 = arith.index_cast %multiple_of3A_74 : i32 to index
      %get3A_76 = tpu.vector_load %arg5[%get3A_75] {strides = array<i32>} : memref<4096xf32, #tpu.memory_space<vmem>>, vector<16xf32>,
      %ne3A_77 = arith.constant -1.000000e+00 : f32
      %ne3A_78 = vector.broadcast %ne3A_77 : f32 to vector<16xf32>
      %ne3A_79 = arith.cmpf one, %get3A_76, %ne3A_78 : vector<16xf32>
      %add3A_80 = arith.constant 16 : i32
      %add3A_81 = arith.addi %multiple_of3A_74, %add3A_80 : i32
      %get3A_82 = arith.index_cast %add3A_81 : i32 to index
      %get3A_83 = tpu.vector_load %arg5[%get3A_82] {strides = array<i32>} : memref<4096xf32, #tpu.memory_space<vmem>>, vector<16xf32>,
      %ne3A_84 = arith.constant -1.000000e+00 : f32
      %ne3A_85 = vector.broadcast %ne3A_84 : f32 to vector<16xf32>
      %ne3A_86 = arith.cmpf one, %get3A_83, %ne3A_85 : vector<16xf32>
      %all_reduce_population_count3A = tpu.all_reduce %ne3A_79 {dim = 0 : i64, kind = #tpu.reduction_kind<sum>} : vector<16xi1> -> vector<16xi32>
      %add3A_87 = arith.addi %while3A_68, %all_reduce_population_count3A : vector<16xi32>
      %all_reduce_population_count3A_88 = tpu.all_reduce %ne3A_86 {dim = 0 : i64, kind = #tpu.reduction_kind<sum>} : vector<16xi1> -> vector<16xi32>
      %add3A_89 = arith.addi %while3A_69, %all_reduce_population_count3A_88 : vector<16xi32>
      %mul3A_90 = arith.constant 128 : i32
      %mul3A_91 = arith.muli %while3A_67, %mul3A_90 : i32
      %add3A_92 = arith.constant 32 : i32
      %add3A_93 = arith.addi %mul3A_91, %add3A_92 : i32
      %multiple_of3A_94 = tpu.assume_multiple %add3A_93, 16 : i32
      %get3A_95 = arith.index_cast %multiple_of3A_94 : i32 to index
      %get3A_96 = tpu.vector_load %arg5[%get3A_95] {strides = array<i32>} : memref<4096xf32, #tpu.memory_space<vmem>>, vector<16xf32>,
      %ne3A_97 = arith.constant -1.000000e+00 : f32
      %ne3A_98 = vector.broadcast %ne3A_97 : f32 to vector<16xf32>
      %ne3A_99 = arith.cmpf one, %get3A_96, %ne3A_98 : vector<16xf32>
      %add3A_100 = arith.constant 16 : i32
      %add3A_101 = arith.addi %multiple_of3A_94, %add3A_100 : i32
      %get3A_102 = arith.index_cast %add3A_101 : i32 to index
      %get3A_103 = tpu.vector_load %arg5[%get3A_102] {strides = array<i32>} : memref<4096xf32, #tpu.memory_space<vmem>>, vector<16xf32>,
      %ne3A_104 = arith.constant -1.000000e+00 : f32
      %ne3A_105 = vector.broadcast %ne3A_104 : f32 to vector<16xf32>
      %ne3A_106 = arith.cmpf one, %get3A_103, %ne3A_105 : vector<16xf32>
      %all_reduce_population_count3A_107 = tpu.all_reduce %ne3A_99 {dim = 0 : i64, kind = #tpu.reduction_kind<sum>} : vector<16xi1> -> vector<16xi32>
      %add3A_108 = arith.addi %add3A_87, %all_reduce_population_count3A_107 : vector<16xi32>
      %all_reduce_population_count3A_109 = tpu.all_reduce %ne3A_106 {dim = 0 : i64, kind = #tpu.reduction_kind<sum>} : vector<16xi1> -> vector<16xi32>
      %add3A_110 = arith.addi %add3A_89, %all_reduce_population_count3A_109 : vector<16xi32>
      %mul3A_111 = arith.constant 128 : i32
      %mul3A_112 = arith.muli %while3A_67, %mul3A_111 : i32
      %add3A_113 = arith.constant 64 : i32
      %add3A_114 = arith.addi %mul3A_112, %add3A_113 : i32
      %multiple_of3A_115 = tpu.assume_multiple %add3A_114, 16 : i32
      %get3A_116 = arith.index_cast %multiple_of3A_115 : i32 to index
      %get3A_117 = tpu.vector_load %arg5[%get3A_116] {strides = array<i32>} : memref<4096xf32, #tpu.memory_space<vmem>>, vector<16xf32>,
      %ne3A_118 = arith.constant -1.000000e+00 : f32
      %ne3A_119 = vector.broadcast %ne3A_118 : f32 to vector<16xf32>
      %ne3A_120 = arith.cmpf one, %get3A_117, %ne3A_119 : vector<16xf32>
      %add3A_121 = arith.constant 16 : i32
      %add3A_122 = arith.addi %multiple_of3A_115, %add3A_121 : i32
      %get3A_123 = arith.index_cast %add3A_122 : i32 to index
      %get3A_124 = tpu.vector_load %arg5[%get3A_123] {strides = array<i32>} : memref<4096xf32, #tpu.memory_space<vmem>>, vector<16xf32>,
      %ne3A_125 = arith.constant -1.000000e+00 : f32
      %ne3A_126 = vector.broadcast %ne3A_125 : f32 to vector<16xf32>
      %ne3A_127 = arith.cmpf one, %get3A_124, %ne3A_126 : vector<16xf32>
      %all_reduce_population_count3A_128 = tpu.all_reduce %ne3A_120 {dim = 0 : i64, kind = #tpu.reduction_kind<sum>} : vector<16xi1> -> vector<16xi32>
      %add3A_129 = arith.addi %add3A_108, %all_reduce_population_count3A_128 : vector<16xi32>
      %all_reduce_population_count3A_130 = tpu.all_reduce %ne3A_127 {dim = 0 : i64, kind = #tpu.reduction_kind<sum>} : vector<16xi1> -> vector<16xi32>
      %add3A_131 = arith.addi %add3A_110, %all_reduce_population_count3A_130 : vector<16xi32>
      %mul3A_132 = arith.constant 128 : i32
      %mul3A_133 = arith.muli %while3A_67, %mul3A_132 : i32
      %add3A_134 = arith.constant 96 : i32
      %add3A_135 = arith.addi %mul3A_133, %add3A_134 : i32
      %multiple_of3A_136 = tpu.assume_multiple %add3A_135, 16 : i32
      %get3A_137 = arith.index_cast %multiple_of3A_136 : i32 to index
      %get3A_138 = tpu.vector_load %arg5[%get3A_137] {strides = array<i32>} : memref<4096xf32, #tpu.memory_space<vmem>>, vector<16xf32>,
      %ne3A_139 = arith.constant -1.000000e+00 : f32
      %ne3A_140 = vector.broadcast %ne3A_139 : f32 to vector<16xf32>
      %ne3A_141 = arith.cmpf one, %get3A_138, %ne3A_140 : vector<16xf32>
      %add3A_142 = arith.constant 16 : i32
      %add3A_143 = arith.addi %multiple_of3A_136, %add3A_142 : i32
      %get3A_144 = arith.index_cast %add3A_143 : i32 to index
      %get3A_145 = tpu.vector_load %arg5[%get3A_144] {strides = array<i32>} : memref<4096xf32, #tpu.memory_space<vmem>>, vector<16xf32>,
      %ne3A_146 = arith.constant -1.000000e+00 : f32
      %ne3A_147 = vector.broadcast %ne3A_146 : f32 to vector<16xf32>
      %ne3A_148 = arith.cmpf one, %get3A_145, %ne3A_147 : vector<16xf32>
      %all_reduce_population_count3A_149 = tpu.all_reduce %ne3A_141 {dim = 0 : i64, kind = #tpu.reduction_kind<sum>} : vector<16xi1> -> vector<16xi32>
      %add3A_150 = arith.addi %add3A_129, %all_reduce_population_count3A_149 : vector<16xi32>
      %all_reduce_population_count3A_151 = tpu.all_reduce %ne3A_148 {dim = 0 : i64, kind = #tpu.reduction_kind<sum>} : vector<16xi1> -> vector<16xi32>
      %add3A_152 = arith.addi %add3A_131, %all_reduce_population_count3A_151 : vector<16xi32>
      scf.yield %add3A_150, %add3A_152 : vector<16xi32>, vector<16xi32>
    }
    %while3A_61 = arith.constant 1 : i32
    %while3A_62:2 = scf.for %while3A_67 = %while3A_58 to %while3A_54 step %while3A_61 iter_args(%while3A_68 = %while3A_60#0, %while3A_69 = %while3A_60#1) -> (vector<16xi32>, vector<16xi32>)  : i32 {
      %mul3A_70 = arith.constant 128 : i32
      %mul3A_71 = arith.muli %while3A_67, %mul3A_70 : i32
      %add3A_72 = arith.constant 0 : i32
      %add3A_73 = arith.addi %mul3A_71, %add3A_72 : i32
      %multiple_of3A_74 = tpu.assume_multiple %add3A_73, 16 : i32
      %get3A_75 = arith.index_cast %multiple_of3A_74 : i32 to index
      %get3A_76 = tpu.vector_load %arg5[%get3A_75] {strides = array<i32>} : memref<4096xf32, #tpu.memory_space<vmem>>, vector<16xf32>,
      %ne3A_77 = arith.constant -1.000000e+00 : f32
      %ne3A_78 = vector.broadcast %ne3A_77 : f32 to vector<16xf32>
      %ne3A_79 = arith.cmpf one, %get3A_76, %ne3A_78 : vector<16xf32>
      %add3A_80 = arith.constant 16 : i32
      %add3A_81 = arith.addi %multiple_of3A_74, %add3A_80 : i32
      %get3A_82 = arith.index_cast %add3A_81 : i32 to index
      %get3A_83 = tpu.vector_load %arg5[%get3A_82] {strides = array<i32>} : memref<4096xf32, #tpu.memory_space<vmem>>, vector<16xf32>,
      %ne3A_84 = arith.constant -1.000000e+00 : f32
      %ne3A_85 = vector.broadcast %ne3A_84 : f32 to vector<16xf32>
      %ne3A_86 = arith.cmpf one, %get3A_83, %ne3A_85 : vector<16xf32>
      %all_reduce_population_count3A = tpu.all_reduce %ne3A_79 {dim = 0 : i64, kind = #tpu.reduction_kind<sum>} : vector<16xi1> -> vector<16xi32>
      %add3A_87 = arith.addi %while3A_68, %all_reduce_population_count3A : vector<16xi32>
      %all_reduce_population_count3A_88 = tpu.all_reduce %ne3A_86 {dim = 0 : i64, kind = #tpu.reduction_kind<sum>} : vector<16xi1> -> vector<16xi32>
      %add3A_89 = arith.addi %while3A_69, %all_reduce_population_count3A_88 : vector<16xi32>
      %mul3A_90 = arith.constant 128 : i32
      %mul3A_91 = arith.muli %while3A_67, %mul3A_90 : i32
      %add3A_92 = arith.constant 32 : i32
      %add3A_93 = arith.addi %mul3A_91, %add3A_92 : i32
      %multiple_of3A_94 = tpu.assume_multiple %add3A_93, 16 : i32
      %get3A_95 = arith.index_cast %multiple_of3A_94 : i32 to index
      %get3A_96 = tpu.vector_load %arg5[%get3A_95] {strides = array<i32>} : memref<4096xf32, #tpu.memory_space<vmem>>, vector<16xf32>,
      %ne3A_97 = arith.constant -1.000000e+00 : f32
      %ne3A_98 = vector.broadcast %ne3A_97 : f32 to vector<16xf32>
      %ne3A_99 = arith.cmpf one, %get3A_96, %ne3A_98 : vector<16xf32>
      %add3A_100 = arith.constant 16 : i32
      %add3A_101 = arith.addi %multiple_of3A_94, %add3A_100 : i32
      %get3A_102 = arith.index_cast %add3A_101 : i32 to index
      %get3A_103 = tpu.vector_load %arg5[%get3A_102] {strides = array<i32>} : memref<4096xf32, #tpu.memory_space<vmem>>, vector<16xf32>,
      %ne3A_104 = arith.constant -1.000000e+00 : f32
      %ne3A_105 = vector.broadcast %ne3A_104 : f32 to vector<16xf32>
      %ne3A_106 = arith.cmpf one, %get3A_103, %ne3A_105 : vector<16xf32>
      %all_reduce_population_count3A_107 = tpu.all_reduce %ne3A_99 {dim = 0 : i64, kind = #tpu.reduction_kind<sum>} : vector<16xi1> -> vector<16xi32>
      %add3A_108 = arith.addi %add3A_87, %all_reduce_population_count3A_107 : vector<16xi32>
      %all_reduce_population_count3A_109 = tpu.all_reduce %ne3A_106 {dim = 0 : i64, kind = #tpu.reduction_kind<sum>} : vector<16xi1> -> vector<16xi32>
      %add3A_110 = arith.addi %add3A_89, %all_reduce_population_count3A_109 : vector<16xi32>
      %mul3A_111 = arith.constant 128 : i32
      %mul3A_112 = arith.muli %while3A_67, %mul3A_111 : i32
      %add3A_113 = arith.constant 64 : i32
      %add3A_114 = arith.addi %mul3A_112, %add3A_113 : i32
      %multiple_of3A_115 = tpu.assume_multiple %add3A_114, 16 : i32
      %get3A_116 = arith.index_cast %multiple_of3A_115 : i32 to index
      %get3A_117 = tpu.vector_load %arg5[%get3A_116] {strides = array<i32>} : memref<4096xf32, #tpu.memory_space<vmem>>, vector<16xf32>,
      %ne3A_118 = arith.constant -1.000000e+00 : f32
      %ne3A_119 = vector.broadcast %ne3A_118 : f32 to vector<16xf32>
      %ne3A_120 = arith.cmpf one, %get3A_117, %ne3A_119 : vector<16xf32>
      %add3A_121 = arith.constant 16 : i32
      %add3A_122 = arith.addi %multiple_of3A_115, %add3A_121 : i32
      %get3A_123 = arith.index_cast %add3A_122 : i32 to index
      %get3A_124 = tpu.vector_load %arg5[%get3A_123] {strides = array<i32>} : memref<4096xf32, #tpu.memory_space<vmem>>, vector<16xf32>,
      %ne3A_125 = arith.constant -1.000000e+00 : f32
      %ne3A_126 = vector.broadcast %ne3A_125 : f32 to vector<16xf32>
      %ne3A_127 = arith.cmpf one, %get3A_124, %ne3A_126 : vector<16xf32>
      %all_reduce_population_count3A_128 = tpu.all_reduce %ne3A_120 {dim = 0 : i64, kind = #tpu.reduction_kind<sum>} : vector<16xi1> -> vector<16xi32>
      %add3A_129 = arith.addi %add3A_108, %all_reduce_population_count3A_128 : vector<16xi32>
      %all_reduce_population_count3A_130 = tpu.all_reduce %ne3A_127 {dim = 0 : i64, kind = #tpu.reduction_kind<sum>} : vector<16xi1> -> vector<16xi32>
      %add3A_131 = arith.addi %add3A_110, %all_reduce_population_count3A_130 : vector<16xi32>
      %mul3A_132 = arith.constant 128 : i32
      %mul3A_133 = arith.muli %while3A_67, %mul3A_132 : i32
      %add3A_134 = arith.constant 96 : i32
      %add3A_135 = arith.addi %mul3A_133, %add3A_134 : i32
      %multiple_of3A_136 = tpu.assume_multiple %add3A_135, 16 : i32
      %get3A_137 = arith.index_cast %multiple_of3A_136 : i32 to index
      %get3A_138 = tpu.vector_load %arg5[%get3A_137] {strides = array<i32>} : memref<4096xf32, #tpu.memory_space<vmem>>, vector<16xf32>,
      %ne3A_139 = arith.constant -1.000000e+00 : f32
      %ne3A_140 = vector.broadcast %ne3A_139 : f32 to vector<16xf32>
      %ne3A_141 = arith.cmpf one, %get3A_138, %ne3A_140 : vector<16xf32>
      %add3A_142 = arith.constant 16 : i32
      %add3A_143 = arith.addi %multiple_of3A_136, %add3A_142 : i32
      %get3A_144 = arith.index_cast %add3A_143 : i32 to index
      %get3A_145 = tpu.vector_load %arg5[%get3A_144] {strides = array<i32>} : memref<4096xf32, #tpu.memory_space<vmem>>, vector<16xf32>,
      %ne3A_146 = arith.constant -1.000000e+00 : f32
      %ne3A_147 = vector.broadcast %ne3A_146 : f32 to vector<16xf32>
      %ne3A_148 = arith.cmpf one, %get3A_145, %ne3A_147 : vector<16xf32>
      %all_reduce_population_count3A_149 = tpu.all_reduce %ne3A_141 {dim = 0 : i64, kind = #tpu.reduction_kind<sum>} : vector<16xi1> -> vector<16xi32>
      %add3A_150 = arith.addi %add3A_129, %all_reduce_population_count3A_149 : vector<16xi32>
      %all_reduce_population_count3A_151 = tpu.all_reduce %ne3A_148 {dim = 0 : i64, kind = #tpu.reduction_kind<sum>} : vector<16xi1> -> vector<16xi32>
      %add3A_152 = arith.addi %add3A_131, %all_reduce_population_count3A_151 : vector<16xi32>
      scf.yield %add3A_150, %add3A_152 : vector<16xi32>, vector<16xi32>
    }
    %add3A_63 = arith.addi %while3A_62#0, %while3A_62#1 : vector<16xi32>
    %mul3A_64 = arith.constant 8 : i32
    %mul3A_65 = arith.muli %add3A, %mul3A_64 : i32
    %while3A_66:2 = scf.while (%while3A_67 = %mul3A_65, %while3A_68 = %add3A_63) : (i32, vector<16xi32>) -> (i32, vector<16xi32>) {
      %lt3A = arith.constant 256 : i32
      %lt3A_69 = arith.cmpi slt, %while3A_67, %lt3A : i32
      %lt3A_70 = vector.broadcast %add3A_4 : i32 to vector<16xi32>
      %lt3A_71 = arith.cmpi slt, %while3A_68, %lt3A_70 : vector<16xi32>
      %reduce_or3A = arith.constant 1.000000e+00 : f32
      %reduce_or3A_72 = arith.constant 0.000000e+00 : f32
      %reduce_or3A_73 = vector.broadcast %reduce_or3A : f32 to vector<16xf32>
      %reduce_or3A_74 = vector.broadcast %reduce_or3A_72 : f32 to vector<16xf32>
      %reduce_or3A_75 = arith.select %lt3A_71, %reduce_or3A_73, %reduce_or3A_74 : vector<16xi1>, vector<16xf32>
      %reduce_or3A_76 = arith.constant true
      %reduce_or3A_77 = vector.broadcast %reduce_or3A_76 : i1 to vector<16xi1>
      %reduce_or3A_78 = tpu.scan <max>, %reduce_or3A_75 masked %reduce_or3A_77 : vector<16xf32>, vector<16xi1> -> vector<16xf32>
      %reduce_or3A_79 = vector.extract %reduce_or3A_78[15] : f32 from vector<16xf32>
      %reduce_or3A_80 = arith.constant 0.000000e+00 : f32
      %reduce_or3A_81 = arith.cmpf ogt, %reduce_or3A_79, %reduce_or3A_80 : f32
      %and3A_82 = arith.andi %lt3A_69, %reduce_or3A_81 : i1
      scf.condition(%and3A_82) %while3A_67, %while3A_68 : i32, vector<16xi32>
    } do {
    ^bb0(%while3A_67: i32, %while3A_68: vector<16xi32>):
      %mul3A_69 = arith.constant 16 : i32
      %mul3A_70 = arith.muli %while3A_67, %mul3A_69 : i32
      %multiple_of3A_71 = tpu.assume_multiple %mul3A_70, 16 : i32
      %get3A_72 = arith.index_cast %multiple_of3A_71 : i32 to index
      %get3A_73 = tpu.vector_load %arg5[%get3A_72] {strides = array<i32>} : memref<4096xf32, #tpu.memory_space<vmem>>, vector<16xf32>,
      %ne3A_74 = arith.constant -1.000000e+00 : f32
      %ne3A_75 = vector.broadcast %ne3A_74 : f32 to vector<16xf32>
      %ne3A_76 = arith.cmpf one, %get3A_73, %ne3A_75 : vector<16xf32>
      %all_reduce_population_count3A = tpu.all_reduce %ne3A_76 {dim = 0 : i64, kind = #tpu.reduction_kind<sum>} : vector<16xi1> -> vector<16xi32>
      %masked_cumsum3A = tpu.scan <sum>, %broadcast_in_dim3A_8 masked %ne3A_76 : vector<16xi32>, vector<16xi1> -> vector<16xi32>
      %add3A_77 = arith.addi %while3A_68, %masked_cumsum3A : vector<16xi32>
      %sub3A_78 = arith.constant 1 : i32
      %sub3A_79 = vector.broadcast %sub3A_78 : i32 to vector<16xi32>
      %sub3A_80 = arith.subi %add3A_77, %sub3A_79 : vector<16xi32>
      %ge3A = vector.broadcast %mul3A_2 : i32 to vector<16xi32>
      %ge3A_81 = arith.cmpi sge, %sub3A_80, %ge3A : vector<16xi32>
      %and3A_82 = arith.andi %ne3A_76, %ge3A_81 : vector<16xi1>
      %lt3A = vector.broadcast %add3A_4 : i32 to vector<16xi32>
      %lt3A_83 = arith.cmpi slt, %sub3A_80, %lt3A : vector<16xi32>
      %and3A_84 = arith.andi %and3A_82, %lt3A_83 : vector<16xi1>
      %sub3A_85 = vector.broadcast %mul3A_2 : i32 to vector<16xi32>
      %sub3A_86 = arith.subi %sub3A_80, %sub3A_85 : vector<16xi32>
      tpu.vector_store_idx %arg6[%sub3A_86], %get3A_73 masked %and3A_84 : memref<128xf32, #tpu.memory_space<vmem>>[vector<16xi32>], vector<16xf32>, vector<16xi1>
      %add3A_87 = arith.constant 1 : i32
      %add3A_88 = arith.addi %while3A_67, %add3A_87 : i32
      %add3A_89 = arith.addi %while3A_68, %all_reduce_population_count3A : vector<16xi32>
      scf.yield %add3A_88, %add3A_89 : i32, vector<16xi32>
    }
    "tpu.region"() ({
      %run_scoped3A = tpu.sem_alloc : memref<!tpu.dma_semaphore, #tpu.memory_space<semaphore_mem>>
      %dma_start3A = tpu.memref_slice %arg4[%mul3A_2] : memref<4096xf32, #tpu.memory_space<hbm>> -> memref<128xf32, #tpu.memory_space<hbm>>
      %dma_start3A_67 = tpu.memref_slice %arg4[%mul3A_2] : memref<4096xf32, #tpu.memory_space<hbm>> -> memref<128xf32, #tpu.memory_space<hbm>>
      tpu.enqueue_dma source(%arg6 : memref<128xf32, #tpu.memory_space<vmem>>) target(%dma_start3A_67 : memref<128xf32, #tpu.memory_space<hbm>>) target_semaphore(%run_scoped3A : memref<!tpu.dma_semaphore, #tpu.memory_space<semaphore_mem>>)
      %dma_wait3A = tpu.memref_slice %arg4[%mul3A_2] : memref<4096xf32, #tpu.memory_space<hbm>> -> memref<128xf32, #tpu.memory_space<hbm>>
      %dma_wait3A_68 = tpu.memref_slice %arg4[%mul3A_2] : memref<4096xf32, #tpu.memory_space<hbm>> -> memref<128xf32, #tpu.memory_space<hbm>>
      tpu.wait_dma2 semaphore(%run_scoped3A : memref<!tpu.dma_semaphore, #tpu.memory_space<semaphore_mem>>) src(%arg6 : memref<128xf32, #tpu.memory_space<vmem>>) dst(%dma_wait3A_68 : memref<128xf32, #tpu.memory_space<hbm>>)
      tpu.yield
    }) : () -> ()
    return
  }
}

module attributes {stable_mosaic.version = 14 : i64} {
  func.func @_tc_body(%arg0: i32, %arg1: memref<512x4096xf32, #tpu.memory_space<vmem>>, %arg2: memref<1xi32, #tpu.memory_space<smem>>, %arg3: memref<512xf32, #tpu.memory_space<vmem>>, %arg4: memref<128xi32, #tpu.memory_space<vmem>>) attributes {dimension_semantics = [#tpu.dimension_semantics<arbitrary>], iteration_bounds = array<i64: 8>, scalar_prefetch = 0 : i64, scratch_operands = 0 : i64, tpu.core_type = #tpu.core_type<tc>, window_params = [{transform_indices = @transform_0, window_bounds = array<i64: 512, 4096>}, {transform_indices = @transform_1, window_bounds = array<i64: 1>}, {transform_indices = @transform_2, window_bounds = array<i64: 512>}, {pipeline_mode = #tpu.pipeline_mode<synchronous>, transform_indices = @transform_3, window_bounds = array<i64: 128>}]} {
    %get3A = arith.constant 0 : index
    %get3A_0 = arith.constant 0 : index
    %get3A_1 = vector.load %arg1[%get3A, %get3A_0] : memref<512x4096xf32, #tpu.memory_space<vmem>>, vector<512x4096xf32>
    %reduce_sum3A = arith.constant dense<0.000000e+00> : vector<512xf32>
    %reduce_sum3A_2 = vector.multi_reduction <add>, %get3A_1, %reduce_sum3A [1] : vector<512x4096xf32> to vector<512xf32>
    %swap3A = arith.constant 0 : index
    %swap3A_3 = vector.load %arg3[%swap3A] : memref<512xf32, #tpu.memory_space<vmem>>, vector<512xf32>
    tpu.vector_store %arg3[%swap3A], %reduce_sum3A_2 {strides = array<i32>} : memref<512xf32, #tpu.memory_space<vmem>>, vector<512xf32>,
    %eq3A = arith.constant 0 : i32
    %eq3A_4 = arith.cmpi eq, %arg0, %eq3A : i32
    %convert_element_type3A = arith.extui %eq3A_4 : i1 to i32
    %cond3A = arith.constant 0 : i32
    %cond3A_5 = arith.cmpi ne, %convert_element_type3A, %cond3A : i32
    scf.if %cond3A_5 {
      %get3A_6 = arith.constant 0 : index
      %get3A_7 = memref.load %arg2[%get3A_6] : memref<1xi32, #tpu.memory_space<smem>>
      %broadcast_in_dim3A = vector.broadcast %get3A_7 : i32 to vector<128xi32>
      %swap3A_8 = arith.constant 0 : index
      %swap3A_9 = vector.load %arg4[%swap3A_8] : memref<128xi32, #tpu.memory_space<vmem>>, vector<128xi32>
      tpu.vector_store %arg4[%swap3A_8], %broadcast_in_dim3A {strides = array<i32>} : memref<128xi32, #tpu.memory_space<vmem>>, vector<128xi32>,
    } else {
    }
    return
  }
  func.func @transform_0(%arg0: i32) -> (i32, i32) {
    %c0_i32 = arith.constant 0 : i32
    %c0_i32_0 = arith.constant 0 : i32
    return %arg0, %c0_i32 : i32, i32
  }
  func.func @transform_1(%arg0: i32) -> i32 {
    %c0_i32 = arith.constant 0 : i32
    %c0_i32_0 = arith.constant 0 : i32
    return %c0_i32 : i32
  }
  func.func @transform_2(%arg0: i32) -> i32 {
    %c0_i32 = arith.constant 0 : i32
    return %arg0 : i32
  }
  func.func @transform_3(%arg0: i32) -> i32 {
    %c0_i32 = arith.constant 0 : i32
    %c0_i32_0 = arith.constant 0 : i32
    return %c0_i32 : i32
  }
}

</mosaic_0001>

<sc_bundles>
// kernel: kernel.4.cloned.1.call-start
scs
__scs_entry_jumppad:
0x0: {  	(pc) =	sbr.rel $0x88, $3  }
0x1: {  	(tag) =	ssettag $0x0;
	lr =	simm.s32 $0x1  }
0x2: {  	[smem:$0x3F9F] =	sst lr;
	_ =	strace $0xD0000000  }
0x3: {  	_ = 	snop  }
0x4: {  	_ = 	snop  }
0x5: {  	_ = 	snop  }
0x6: {  	_ = 	snop  }
0x7: {  	_ = 	snop  }
__scs_overlays_trampoline_lowered:
0x8: {  	[smem:$0x3FAE] =	sst s0  }
0x9: {  	[smem:$0x3FAF] =	sst s1  }
0xa: {  	[smem:$0x3FB0] =	sst s2  }
0xb: {  	[smem:$0x3FB1] =	sst s3  }
0xc: {  	[smem:$0x3FB2] =	sst s4  }
0xd: {  	[smem:$0x3FB3] =	sst s5  }
0xe: {  	[smem:$0x3FB4] =	sst s6  }
0xf: {  	[smem:$0x3FB5] =	sst s7  }
0x10: {  	[smem:$0x3FB6] =	sst s8  }
0x11: {  	[smem:$0x3FB7] =	sst s9;
	s0 =	simm.s32 @!p0 $0x0  }
0x12: {  	s1 =	sld [smem:$0x3F9D];
	s0 =	simm.s32 @p0 $0x1  }
0x13: {  	[smem:$0x3FB8] =	sst s0;
	s0 =	simm.s32 @!p1 $0x0  }
0x14: {  	s2 =	sld [smem:$0x3F9C];
	s0 =	simm.s32 @p1 $0x1  }
0x15: {  	[smem:$0x3FB9] =	sst s0;
	s0 =	simm.s32 @!p2 $0x0  }
0x16: {  	s3 =	sld [smem:$0x3FDB];
	s0 =	simm.s32 @p2 $0x1  }
0x17: {  	s4 =	simm.s32 $0x1BF5;
	[smem:$0x3FBB] =	sst s0  }
0x18: {  	s0 =	sld [smem:$0x3F9E];
	_ =	swait.ge [sflag:s4], $0x0  }
0x19: {  	s7 =	sld [smem:$0x3F9F]  }
0x1a: {  	s8 =	sadd.s32 $0xFFFFE003, lr  }
0x1b: {  	s9 =	sadd.s32 $0xFFFFFEF7, lr;
	s5 =	simm.s32 $0xFFFFFFFF;
	p2 =	slt.u32 s8, $0xFFFFF086  }
0x1c: {  	p1 =	slt.u32 s9, $0xF7A;
	s5 =	simm.s32 @!p2 $0x0  }
0x1d: {  	s5 =	simm.s32 @p1 $0x1;
	p0 =	seq.s32 s7, s2  }
0x1e: {  	s7 =	smul.u32 @!p0 $0xF7A, s2;
	p2 =	seq.s32 @!p0 s5, $0x0  }
0x1f: {  	s9 =	smul.u32 $0xF7A, s1;
	s8 =	simm.s32 @!p0 $0x1BF5;
	p2 =	por !p2, p0  }
0x20: {  	[sflag:s8] =	ssyncset.s32 @!p0 $0xFFFFF086;
	s6 =	sadd.s32 @!p0 s3, s7;
	s7 =	simm.s32 @!p0 $0x108  }
0x21: {  	s3 =	sadd.s32 s3, s9;
	s6 =	sadd.s32 @!p0 $0x88, s6;
	s7 =	simm.s32 @p2 $0x1082  }
0x22: {  	[simem:s7], [sflag:s8] =	dma.local @!p0 [hbm:s6], $0xF7A  }
0x23: {  	s9 =	sor.u32 $0xD0000000, s2;
	s6 =	simm.s32 $0x108;
	_ =	swait.ge @!p0 [sflag:s8], $0x0  }
0x24: {  	s3 =	sadd.s32 $0x88, s3;
	s6 =	simm.s32 @!p1 $0x1082;
	[sflag:s4] =	ssyncset.s32 $0xFFFFF086  }
0x25: {  	[simem:s6], [sflag:s4] =	dma.local [hbm:s3], $0xF7A  }
0x26: {  	[smem:$0x3F9F] =	sst s1;
	(tag) =	ssettag s2;
	_ =	strace s9  }
0x27: {  	s1 =	sld [smem:$0x3FAF]  }
0x28: {  	s2 =	sld [smem:$0x3FB0]  }
0x29: {  	s4 =	sld [smem:$0x3FB2]  }
0x2a: {  	p0 =	seq.s32 s5, $0x0;
	s5 =	sld [smem:$0x3FB3]  }
0x2b: {  	s6 =	sld [smem:$0x3FB4]  }
0x2c: {  	s7 =	sld [smem:$0x3FB5]  }
0x2d: {  	s3 =	simm.s32 $0x108;
	s8 =	sld [smem:$0x3FB6]  }
0x2e: {  	s3 =	simm.s32 @!p0 $0x1082;
	s9 =	sld [smem:$0x3FB7]  }
0x2f: {  	lr =	sadd.s32 s0, s3;
	s0 =	sld [smem:$0x3FAE]  }
0x30: {  	s3 =	sld [smem:$0x3FB1]  }
0x31: {  	[smem:$0x3FBA] =	sst s10  }
0x32: {  	s10 =	sld [smem:$0x3FB8];
	_ =	sdelay $0x3  }
0x33: {  	p0 =	seq.s32 s10, $0x1;
	s10 =	sld [smem:$0x3FBA];
	_ =	sdelay $0x3  }
0x34: {  	[smem:$0x3FBA] =	sst s10  }
0x35: {  	s10 =	sld [smem:$0x3FB9];
	_ =	sdelay $0x3  }
0x36: {  	p1 =	seq.s32 s10, $0x1;
	s10 =	sld [smem:$0x3FBA];
	_ =	sdelay $0x3  }
0x37: {  	[smem:$0x3FBA] =	sst s10  }
0x38: {  	s10 =	sld [smem:$0x3FBB]  }
0x39: {  	_ = 	snop;
	(pc) =	sbr.ind lr, $3  }
0x3a: {  	_ = 	snop  }
0x3b: {  	_ = 	snop  }
0x3c: {  	p2 =	seq.s32 s10, $0x1;
	s10 =	sld [smem:$0x3FBA]  }
0x3d: {  	_ =	shalt  }
0x3e: {  	_ =	shalt  }
0x3f: {  	_ =	shalt  }
0x40: {  	_ =	shalt  }
0x41: {  	_ =	shalt  }
0x42: {  	_ =	shalt  }
0x43: {  	_ =	shalt  }
0x44: {  	_ =	shalt  }
0x45: {  	_ =	shalt  }
0x46: {  	_ =	shalt  }
0x47: {  	_ =	shalt  }
0x48: {  	_ =	shalt  }
0x49: {  	_ =	shalt  }
0x4a: {  	_ =	shalt  }
0x4b: {  	_ =	shalt  }
0x4c: {  	_ =	shalt  }
0x4d: {  	_ =	shalt  }
0x4e: {  	_ =	shalt  }
0x4f: {  	_ =	shalt  }
0x50: {  	_ =	shalt  }
0x51: {  	_ =	shalt  }
0x52: {  	_ =	shalt  }
0x53: {  	_ =	shalt  }
0x54: {  	_ =	shalt  }
0x55: {  	_ =	shalt  }
0x56: {  	_ =	shalt  }
0x57: {  	_ =	shalt  }
0x58: {  	_ =	shalt  }
0x59: {  	_ =	shalt  }
0x5a: {  	_ =	shalt  }
0x5b: {  	_ =	shalt  }
0x5c: {  	_ =	shalt  }
0x5d: {  	_ =	shalt  }
0x5e: {  	_ =	shalt  }
0x5f: {  	_ =	shalt  }
0x60: {  	_ =	shalt  }
0x61: {  	_ =	shalt  }
0x62: {  	_ =	shalt  }
0x63: {  	_ =	shalt  }
0x64: {  	_ =	shalt  }
0x65: {  	_ =	shalt  }
0x66: {  	_ =	shalt  }
0x67: {  	_ =	shalt  }
0x68: {  	_ =	shalt  }
0x69: {  	_ =	shalt  }
0x6a: {  	_ =	shalt  }
0x6b: {  	_ =	shalt  }
0x6c: {  	_ =	shalt  }
0x6d: {  	_ =	shalt  }
0x6e: {  	_ =	shalt  }
0x6f: {  	_ =	shalt  }
0x70: {  	_ =	shalt  }
0x71: {  	_ =	shalt  }
0x72: {  	_ =	shalt  }
0x73: {  	_ =	shalt  }
0x74: {  	_ =	shalt  }
0x75: {  	_ =	shalt  }
0x76: {  	_ =	shalt  }
0x77: {  	_ =	shalt  }
0x78: {  	_ =	shalt  }
0x79: {  	_ =	shalt  }
0x7a: {  	_ =	shalt  }
0x7b: {  	_ =	shalt  }
0x7c: {  	_ =	shalt  }
0x7d: {  	_ =	shalt  }
0x7e: {  	_ =	shalt  }
0x7f: {  	_ =	shalt  }
0x80: {  	_ =	shalt  }
0x81: {  	_ =	shalt  }
0x82: {  	_ =	shalt  }
0x83: {  	_ =	shalt  }
0x84: {  	_ =	shalt  }
0x85: {  	_ =	shalt  }
0x86: {  	_ =	shalt  }
0x87: {  	_ =	shalt  }
.Lfunc_end0:
.L_simem_size_0:
called_computation_lowered:
.L_overlay_start_0:
0x88: {  	s2 =	sld [smem:$0x3FD9]  }
0x89: {  	s3 =	sld [smem:$0x3FFE];
	_ =	sdelay $0x1  }
0x8a: {  	s1 =	srdreg.scid  }
0x8b: {  	s0 =	sand.u32 $0x1, s1  }
0x8c: {  	s17 =	sshll.u32 s0, $0xA;
	s2 =	sadd.s32 s3, s2  }
0x8d: {  	s2 =	sadd.s32 s2, s17  }
0x8e: {  	[smem:$0x3FC6] =	sst s2  }
0x8f: {  	_ = 	snop  }
0x90: {  	s2 =	sld [smem:$0x3FD0];
	(tm) =	ssettm $0x1  }
0x91: {  	s18 =	sld [smem:$0x3FFB];
	_ =	sdelay $0x3  }
0x92: {  	_ =	strace s18  }
0x93: {  	s3 =	sld [smem:$0x3FFC];
	_ =	sdelay $0x3  }
0x94: {  	_ =	strace s3  }
0x95: {  	s3 =	sld [smem:$0x3FFD];
	_ =	sdelay $0x3  }
0x96: {  	_ =	strace s3  }
0x97: {  	_ =	strace $0x8FFFFFFF  }
0x98: {  	s19 =	sld [smem:$0x3FDB];
	_ =	sdelay $0x1  }
0x99: {  	s4 =	simm.s32 $_scs_section_size  }
0x9a: {  	s5 =	simm.s32 $_size__tile_overlayer_lowered;
	s6 =	simm.s32 $_tile_overlayer_lowered  }
0x9b: {  	s22 =	simm.s32 $0x1BFF;
	s21 =	sshll.u32 s6, $0x1;
	s3 =	sadd.s32 s4, s19  }
0x9c: {  	s7 =	simm.s32 $0x0;
	s20 =	sshll.u32 s5, $0x1;
	s5 =	sadd.s32 s21, s3  }
0x9d: {  	[timem:s7], [sflag:s22] =	dma.local [hbm:s5], s20  }
0x9e: {  	_ =	swait.ge [sflag:s22], s20  }
0x9f: {  	s4 =	ssub.s32 $0x0, s20;
	[sflag:s22] =	ssyncset.done $0x0  }
0xa0: {  	[sflag:s22] =	ssyncadd.s32 s4;
	_ =	sdelay $0x1  }
0xa1: {  	s23 =	simm.s32 $0x1B8B  }
0xa2: {  	_ =	swait.ge [sflag:s23], $0x1  }
0xa3: {  	[sflag:s23] =	ssyncset.done $0x0  }
0xa4: {  	s25 =	simm.s32 $0x1B8E;
	s24 =	sld [smem:$0x3FFE];
	[sflag:s23] =	ssyncadd.s32 $0xFFFFFFFF  }
0xa5: {  	s26 =	simm.s32 $execute0_lowered;
	[smem:$0x3FD2] =	sst s25  }
0xa6: {  	s5 =	sshll.u32 s26, $0x1;
	_ =	strace $0x80000046;
	[dreg:$0x1] =	wrdreg $0xFFFFFFFF  }
0xa7: {  	s28 =	simm.s32 $_size_execute0_lowered;
	s3 =	sadd.s32 s3, s5;
	[dreg:$0x0] =	wrdreg $0x0  }
0xa8: {  	s5 =	sshll.u32 s28, $0x1;
	[dreg:$0x2] =	wrdreg s3  }
0xa9: {  	[dreg:$0x3] =	wrdreg s5  }
0xaa: {  	[dreg:$0x4] =	wrdreg $0xC0  }
0xab: {  	_ =	task [dreg:s7], $0x5FFFF  }
0xac: {  	[dreg:$0x1] =	wrdreg $0xFFFFFFFF  }
0xad: {  	[dreg:$0x0] =	wrdreg $0x60  }
0xae: {  	[dreg:$0x2] =	wrdreg s24  }
0xaf: {  	[dreg:$0x3] =	wrdreg s2  }
0xb0: {  	[dreg:$0x4] =	wrdreg $0x9  }
0xb1: {  	_ =	task.clear_ibuf [dreg:s7], $0x5FFFF;
	_ =	strace $0x90000046  }
0xb2: {  	s29 =	simm.s32 $0x9;
	_ =	strace $0x80000048  }
0xb3: {  	_ =	swait.ge [sflag:s29], $0x1  }
0xb4: {  	[sflag:s29] =	ssyncadd.s32 $0xFFFFFFFF  }
0xb5: {  	_ =	strace $0x90000048  }
0xb6: {  	_ =	sfence  }
0xb7: {  	s30 =	sld [smem:$0x0];
	_ =	sdelay $0x2  }
0xb8: {  	s31 =	sshll.u32 s1, $0xD;
	s1 =	sshrl.u32 s1, $0x2  }
0xb9: {  	s3 =	sand.u32 $0x4000, s31;
	s1 =	sadd.s32 s1, s30  }
0xba: {  	s0 =	sor.u32 s3, s0;
	s1 =	sshll.u32 s1, $0x11  }
0xbb: {  	s0 =	sor.u32 s1, s0  }
0xbc: {  	s0 =	sadd.s32 $0x8F2B, s0  }
0xbd: {  	[sflag:s0] =	ssyncadd.remote.s32 $0x1  }
0xbe: {  	_ =	sfence.sel $0xFFFF  }
0xbf: {  	[dreg:$0x0] =	wrdreg $0xFFFFFFFF;
	(pc) =	sbr.abs _section_cstart, $3  }
0xc0: {  	[dreg:$0x1] =	wrdreg $0xFFFFFFFF  }
0xc1: {  	_ =	task.clear_ibuf [dreg:s7], $0x2FFFF;
	_ =	strace $0x9FFFFFFF  }
0xc2: {  	(tm) =	ssettm $0x7FFFFFFF  }
0xc3: {  	_ =	shalt  }
tec
execute0_lowered:
.L_overlay_start_1:
0x0: {  	(tag) =	ssettag $0x1  }
0x1: {  	s5 =	rddreg [dreg:$0x0]  }
0x2: {  	s7 =	rddreg [dreg:$0x1]  }
0x3: {  	s0 =	rddreg [dreg:$0x2]  }
0x4: {  	s2 =	simm.s32 $0x0;
	s3 =	srdreg.scid;
	s1 =	stileid.u32  }
0x5: {  	s14 =	simm.s32 $0x0;
	[smem:$0x7FF] =	sst s2;
	s6 =	sand.u32 $0x1, s3  }
0x6: {  	s4 =	sshll.u32 s1, $0x1;
	s3 =	sadd.s32 $0xC00, s5;
	s5 =	sadd.s32 $0xA00, s5  }
0x7: {  	s31 =	sshll.u32 s1, $0xA;
	_ =	strace $0x80000047;
	s8 =	ssub.s32 $0x2, s6  }
0x8: {  	s4 =	sor.u32 s6, s4;
	s12 =	sshll.u32 s6, $0x9;
	s9 =	sshrl.u32 s8, $0x1  }
.Ltmp0:
0x9: {  	s10 =	sshll.u32 s4, $0x7;
	s6 =	sshll.u32 s4, $0x3;
	(pc) =	sbr.rel .LBB2_1-.Ltmp0, $4  }
0xa: {  	s13 =	sshll.u32 s4, $0x4;
	p0 =	seq.s32 s4, $0x0;
	s8 =	ssub.s32 s8, s9  }
0xb: {  	s11 =	sadd.s32 $0x80, s10;
	s9 =	sor.u32 s12, s31;
	s7 =	sadd.s32 s7, s13  }
0xc: {  	v2 =	vimm.f32 $-1.000000000e+00;
	v3 =	vlaneseq.u32;
	v1 =	vmov s10;
	s10 =	simm.s32 $0x1080;
	s12 =	simm.s32 $0x1;
	s13 =	simm.s32 $0x1000  }
0xd: {  	v4 =	vimm.f32 $0.0e+00;
	v5 =	vimm.s32 $0x1;
	s8 =	smax.u32 s8, $0x1;
	s9 =	sshrl.u32 s9, $0x2;
	v0 =	vmov s11;
	s11 =	simm.s32 $0x2  }
.LBB2_7:
0xe: {  	s14 =	sadd.s32 $0x1, s14  }
0xf: {  	p1 =	sne.s32 s14, s8  }
.Ltmp1:
0x10: {  	_ = 	snop;
	(pc) =	sbr.rel @!p1 .LBB2_8-.Ltmp1, $4  }
0x11: {  	[hbm4b:s7+s2] =	stream.linear.scatter [tilespmem:s13], [sflag:$0x2], $0x80, $0x38;
	[tilespmem:$0x1100] =	vst v63  }
0x12: {  	_ =	swait.ge [sflag:s11], $0x80  }
0x13: {  	[sflag:s11] =	ssyncset.done $0x0  }
0x14: {  	[sflag:s11] =	ssyncadd.s32 $0xFFFFFF80  }
.LBB2_1:
0x15: {  	[tilespmem:s2], [sflag:$0x1] =	stream.linear.gather [hbm4b:s5+s2], $0x1000, $0x38;
	[tilespmem:$0x1100] =	vst v63  }
0x16: {  	_ = 	snop  }
0x17: {  	[tilespmem:s10], [sflag:$0x2] =	stream.linear.gather [hbm4b:s3+s2], $0x10, $0x38;
	[tilespmem:$0x1100] =	vst v63  }
0x18: {  	_ =	swait.ge [sflag:s11], $0x10  }
0x19: {  	[sflag:s11] =	ssyncset.done $0x0  }
0x1a: {  	[sflag:s11] =	ssyncadd.s32 $0xFFFFFFF0  }
0x1b: {  	[tilespmem:$0x1000] =	vst v2  }
0x1c: {  	[tilespmem:$0x1010] =	vst v2  }
0x1d: {  	[tilespmem:$0x1020] =	vst v2  }
0x1e: {  	[tilespmem:$0x1030] =	vst v2  }
0x1f: {  	v6 =	vld [tilespmem:$0x1080];
	[tilespmem:$0x1040] =	vst v2  }
0x20: {  	[tilespmem:$0x1050] =	vst v2  }
0x21: {  	[tilespmem:$0x1060] =	vst v2  }
0x22: {  	[tilespmem:$0x1070] =	vst v2  }
0x23: {  	_ =	swait.ge [sflag:s12], $0x1000  }
0x24: {  	(v2sf) =	vpush v6, $0x0;
	_ =	sdelay $0xe  }
0x25: {  	s15 =	spop (v2sf)  }
0x26: {  	s16 =	sand.u32 $0xF, s15  }
0x27: {  	s31 =	sshra.s32 s15, $0x1F;
	p2 =	slt.s32 s15, $0x1;
	p1 =	sne.s32 s16, $0x0  }
0x28: {  	s16 =	sshrl.u32 s31, $0x1C;
	p1 =	por !p2, !p1  }
0x29: {  	s15 =	sadd.s32 s16, s15;
	s16 =	simm.s32 $0x1;
	p1 =	por !p1, !p1  }
0x2a: {  	s15 =	sshrl.u32 s15, $0x4;
	s16 =	simm.s32 @!p1 $0x0  }
0x2b: {  	[sflag:s12] =	ssyncset.done $0x0;
	s15 =	ssub.s32 s15, s16  }
0x2c: {  	[sflag:s12] =	ssyncadd.s32 $0xFFFFF000;
	s15 =	sshll.u32 s15, $0x4  }
0x2d: {  	v7 =	vld [tilespmem:s15+$0x0];
	_ =	sdelay $0x1  }
.Ltmp2:
0x2e: {  	_ = 	snop;
	(pc) =	sbr.rel @p0 .LBB2_5-.Ltmp2, $4  }
0x2f: {  	v8 =	vor.u32 s15, v3  }
0x30: {  	vm0 =	veq.s32 v8, v6  }
0x31: {  	v6 =	vsel vm0, $0xBF800000, v7  }
0x32: {  	[tilespmem:s15+$0x0] =	vst v6;
	s15 =	simm.s32 $0x40;
	v6 =	vimm.s32 $0x0  }
0x33: {  	v7 =	vld [tilespmem:s15+$0x20]  }
0x34: {  	v13 =	vld [tilespmem:s15+$0x30]  }
0x35: {  	v14 =	vld [tilespmem:s15+$0x0]  }
0x36: {  	v8 =	vld [tilespmem:s15+$0x10]  }
0x37: {  	v9 =	vld [tilespmem:s15+$0xFFFFFFE0];
	p1 =	sne.s32 s4, $0x1  }
.Ltmp3:
0x38: {  	v10 =	vld [tilespmem:s15+$0xFFFFFFF0];
	(pc) =	sbr.rel @!p1 .LBB2_4-.Ltmp3, $4  }
0x39: {  	v11 =	vld [tilespmem:s15+$0xFFFFFFC0]  }
0x3a: {  	v12 =	vld [tilespmem:s15+$0xFFFFFFD0];
	vm1 =	vlt.f32 v7, $-1.000000000e+00  }
0x3b: {  	vm3 =	vgt.f32 v7, $-1.000000000e+00;
	vm4 =	vlt.f32 v13, $-1.000000000e+00;
	vm0 =	vlt.f32 v14, $-1.000000000e+00  }
0x3c: {  	s16 =	sadd.s32 $0xFFFFFFFF, s4;
	vm2 =	vgt.f32 v14, $-1.000000000e+00;
	vm5 =	vgt.f32 v13, $-1.000000000e+00;
	v7 =	vimm.s32 $0x0  }
.LBB2_3:
0x3d: {  	p1 =	sne.s32 s16, $0x1;
	vm8 =	vlt.f32 v9, $-1.000000000e+00;
	vm6 =	vlt.f32 v8, $-1.000000000e+00;
	vm7 =	vgt.f32 v8, $-1.000000000e+00  }
0x3e: {  	vm9 =	vgt.f32 v9, $-1.000000000e+00;
	vm10 =	vlt.f32 v10, $-1.000000000e+00;
	vm11 =	vgt.f32 v10, $-1.000000000e+00  }
0x3f: {  	vm12 =	vlt.f32 v11, $-1.000000000e+00;
	vm13 =	vgt.f32 v11, $-1.000000000e+00;
	vm14 =	vlt.f32 v12, $-1.000000000e+00  }
0x40: {  	vm1 =	vmor vm3, vm1;
	vm3 =	vmor vm5, vm4;
	s15 =	sadd.s32 $0x80, s15;
	vm15 =	vgt.f32 v12, $-1.000000000e+00  }
0x41: {  	vm0 =	vmor vm2, vm0;
	vm5 =	vmor vm9, vm8;
	vm4 =	vmor vm13, vm12;
	v13 =	vld [tilespmem:s15+$0x20]  }
0x42: {  	v15 =	vmpcnt.ones.xlane vm1;
	v12 =	vmpcnt.ones.xlane vm0;
	vm2 =	vmor vm15, vm14;
	v14 =	vld [tilespmem:s15+$0x30]  }
0x43: {  	vm0 =	vmor vm11, vm10;
	v10 =	vmpcnt.ones.xlane vm4;
	v11 =	vmpcnt.ones.xlane vm2;
	v16 =	vld [tilespmem:s15+$0x0]  }
0x44: {  	v17 =	vmpcnt.ones.xlane vm5;
	v18 =	vmpcnt.ones.xlane vm0;
	vm0 =	vmor vm7, vm6;
	v8 =	vld [tilespmem:s15+$0x10]  }
0x45: {  	v19 =	vmpcnt.ones.xlane vm0;
	v6 =	vadd.s32 v6, v10;
	v7 =	vadd.s32 v7, v11;
	v9 =	vld [tilespmem:s15+$0xFFFFFFE0]  }
.Ltmp4:
0x46: {  	v6 =	vadd.s32 v17, v6;
	v17 =	vmpcnt.ones.xlane vm3;
	v7 =	vadd.s32 v18, v7;
	v10 =	vld [tilespmem:s15+$0xFFFFFFF0];
	(pc) =	sbr.rel @p1 .LBB2_3-.Ltmp4, $4  }
0x47: {  	v6 =	vadd.s32 v12, v6;
	v7 =	vadd.s32 v19, v7;
	v11 =	vld [tilespmem:s15+$0xFFFFFFC0]  }
0x48: {  	v6 =	vadd.s32 v15, v6;
	v7 =	vadd.s32 v17, v7;
	v12 =	vld [tilespmem:s15+$0xFFFFFFD0]  }
0x49: {  	vm1 =	vlt.f32 v13, $-1.000000000e+00;
	vm3 =	vgt.f32 v13, $-1.000000000e+00;
	vm4 =	vlt.f32 v14, $-1.000000000e+00  }
0x4a: {  	s16 =	sadd.s32 $0xFFFFFFFF, s16;
	vm5 =	vgt.f32 v14, $-1.000000000e+00;
	vm0 =	vlt.f32 v16, $-1.000000000e+00;
	vm2 =	vgt.f32 v16, $-1.000000000e+00  }
.LBB2_4:
0x4b: {  	vm6 =	vlt.f32 v9, $-1.000000000e+00;
	vm7 =	vlt.f32 v8, $-1.000000000e+00;
	vm8 =	vgt.f32 v8, $-1.000000000e+00  }
0x4c: {  	vm9 =	vgt.f32 v9, $-1.000000000e+00;
	vm10 =	vlt.f32 v10, $-1.000000000e+00;
	vm11 =	vgt.f32 v10, $-1.000000000e+00  }
0x4d: {  	vm1 =	vmor vm3, vm1;
	vm3 =	vmor vm5, vm4;
	vm0 =	vmor vm2, vm0  }
0x4e: {  	vm12 =	vlt.f32 v11, $-1.000000000e+00;
	vm13 =	vgt.f32 v11, $-1.000000000e+00;
	v8 =	vmpcnt.ones.xlane vm0  }
0x4f: {  	v58 =	vmpcnt.ones.xlane vm1;
	vm14 =	vlt.f32 v12, $-1.000000000e+00;
	vm15 =	vgt.f32 v12, $-1.000000000e+00  }
0x50: {  	vm4 =	vmor vm13, vm12;
	vm12 =	vmor vm9, vm6;
	vm13 =	vmor vm15, vm14  }
0x51: {  	v59 =	vmpcnt.ones.xlane vm4;
	vm14 =	vmor vm11, vm10;
	v60 =	vmpcnt.ones.xlane vm13  }
0x52: {  	v61 =	vmpcnt.ones.xlane vm12;
	vm15 =	vmor vm8, vm7;
	v13 =	vmpcnt.ones.xlane vm14  }
0x53: {  	v62 =	vmpcnt.ones.xlane vm15;
	v6 =	vadd.s32 v6, v59;
	v7 =	vadd.s32 v7, v60  }
0x54: {  	v63 =	vmpcnt.ones.xlane vm3;
	v6 =	vadd.s32 v61, v6;
	v7 =	vadd.s32 v13, v7  }
0x55: {  	v6 =	vadd.s32 v8, v6;
	v7 =	vadd.s32 v62, v7  }
0x56: {  	v6 =	vadd.s32 v58, v6;
	v7 =	vadd.s32 v63, v7  }
0x57: {  	v6 =	vadd.s32 v6, v7  }
.LBB2_5:
0x58: {  	vm0 =	vlt.s32 v6, v0  }
0x59: {  	v7 =	vsel vm0, $0x3F800000, v4  }
0x5a: {  	(xrf0) =	vmax.scan.msk.f32 $0xffff, v7;
	_ =	sdelay $0x5  }
0x5b: {  	v7, _, _ =	vpop (xrf0)  }
0x5c: {  	(v2sf) =	vpush v7, $0xF;
	_ =	sdelay $0xe  }
0x5d: {  	s15 =	spop (v2sf)  }
0x5e: {  	p1 =	sgt.f32 s15, $0.0e+00  }
.Ltmp5:
0x5f: {  	_ = 	snop;
	(pc) =	sbr.rel @!p1 .LBB2_7-.Ltmp5, $2  }
0x60: {  	_ =	sdelay $0x2  }
0x61: {  	s16 =	smov.u32 s6;
	s15 =	smov.u32 s9  }
.LBB2_6:
0x62: {  	v7 =	vld [tilespmem:s15+$0x0];
	_ =	sdelay $0x4  }
0x63: {  	vm0 =	vlt.f32 v7, $-1.000000000e+00;
	vm1 =	vgt.f32 v7, $-1.000000000e+00  }
0x64: {  	vm0 =	vmor vm1, vm0  }
0x65: {  	(xrf0) =	vadd.scan.msk.s32 vm0, v5;
	_ =	sdelay $0x4  }
0x66: {  	v8 =	vmpcnt.ones.xlane vm0  }
0x67: {  	v9, _, _ =	vpop (xrf0)  }
0x68: {  	v9 =	vadd.s32 v9, v6;
	v6 =	vadd.s32 v6, v8  }
0x69: {  	vm14 =	vlt.s32 v6, v0  }
0x6a: {  	v8 =	vsel vm14, $0x3F800000, v4  }
0x6b: {  	(xrf0) =	vmax.scan.msk.f32 $0xffff, v8;
	_ =	sdelay $0x5  }
0x6c: {  	v8, _, _ =	vpop (xrf0)  }
0x6d: {  	(v2sf) =	vpush v8, $0xF;
	_ =	sdelay $0xd  }
0x6e: {  	v8 =	vadd.s32 $0xFFFFFFFF, v9  }
0x6f: {  	p1 =	sgt.u32 s16, $0xFE;
	vm15 =	vge.s32 v8, v1;
	vm2 =	vlt.s32 v8, v0;
	s17 =	spop (v2sf)  }
0x70: {  	v9 =	vsub.s32 v8, v1;
	vm1 =	vmand vm15, vm2;
	p2 =	sgt.f32 @!p1 s17, $0.0e+00  }
0x71: {  	v8 =	vand.u32 $0x7F, v8;
	v9 =	vand.u32 $0xFFFFFF80, v9;
	vm0 =	vmand vm0, vm1  }
0x72: {  	v8 =	vor.u32 v8, v9;
	p1 =	por p1, !p2  }
.Ltmp6:
0x73: {  	_ = 	snop;
	(pc) =	sbr.rel @!p1 .LBB2_6-.Ltmp6, $2  }
0x74: {  	_ =	sdelay $0x2  }
0x75: {  	s16 =	sadd.s32 $0x1, s16;
	s15 =	sadd.s32 $0x10, s15;
	[tilespmem:v8+s13+$0x0] =	vst.idx.msk vm0, v7  }
.Ltmp7:
0x76: {  	_ = 	snop;
	(pc) =	sbr.rel .LBB2_7-.Ltmp7, $1  }
0x77: {  	_ =	sdelay $0x3  }
.LBB2_8:
0x78: {  	_ =	sfence.sel $0x180000  }
0x79: {  	[bflag:$0x0] =	sbarrier.arrive $0xFFFF  }
0x7a: {  	p0 =	sne.s32 s1, $0x0;
	_ =	strace $0x90000047  }
0x7b: {  	s0 =	sadd.s32 @!p0 $0x100000, s0;
	[bflag:$0x2] =	sbarrier.arrive $0xFFFF  }
0x7c: {  	[sflag:s0] =	ssyncadd.tile.s32 @!p0 $0x1;
	_ =	shalt  }
.Lfunc_end2:
_tile_overlayer_lowered:
.L_overlay_start_2:
0x7d: {  	(tag) =	ssettag $0x2  }
0x7e: {  	s0 =	rddreg [dreg:$0x0];
	s2 =	stileid.u32  }
0x7f: {  	s1 =	rddreg [dreg:$0x1];
	p0 =	sne.s32 s2, $0x0  }
0x80: {  	s3 =	rddreg [dreg:$0x2];
	[bflag:$0x3] =	sbarrier.arrive $0xFFFF;
	s2 =	simm.s32 @!p0 $0x1C02  }
0x81: {  	[timem:s3], [sflag:s2] =	dma.local @!p0 [hbm:s0], s1  }
0x82: {  	s0 =	simm.s32 @!p0 $0x2  }
0x83: {  	_ =	swait.ge @!p0 [sflag:s0], s1  }
0x84: {  	s1 =	ssub.s32 @!p0 $0x0, s1;
	[sflag:s0] =	ssyncset.done @!p0 $0x0  }
0x85: {  	[sflag:s0] =	ssyncadd.s32 @!p0 s1  }
0x86: {  	[bflag:$0x3] =	sbarrier.arrive $0xFFFF  }
0x87: {  	_ =	shalt  }

</sc_bundles>
